<compile_context>
chip_gen: v7x
topology: tpu7x:2x2x1
jax: 0.10.2.dev20260603
libtpu: 0.0.44.dev20260713+nightly
codegen_flags: <defaults>
</compile_context>

<pallas_src>
import functools

import jax
import jax.numpy as jnp
from jax import lax
from jax.experimental import pallas as pl
from jax.experimental.pallas import tpu as pltpu
from jax.experimental.pallas import tpu_sc as plsc

_NUM_PT = 32
_NUM_T = 100000
_BATCH = 1024
_SEQ = 200
_TOK = _BATCH * _SEQ
_CHUNK = 4096
_NCHUNK = _TOK // _CHUNK
_NVEC = _CHUNK // 16
_VPU_TOK = _CHUNK // 2

_mesh = plsc.VectorSubcoreMesh(core_axis_name="c", subcore_axis_name="s")


@functools.partial(
    pl.kernel,
    mesh=_mesh,
    compiler_params=pltpu.CompilerParams(use_tc_tiling_on_sc=False,
                                         needs_layout_passes=False),
    out_type=jax.ShapeDtypeStruct((_NUM_PT, _TOK), jnp.float32),
    scratch_types=[
        pltpu.VMEM((_NUM_T,), jnp.float32),
        pltpu.VMEM((_CHUNK,), jnp.int32),
        pltpu.VMEM((_CHUNK,), jnp.int32),
        pltpu.VMEM((_CHUNK,), jnp.float32),
        pltpu.VMEM((_CHUNK,), jnp.float32),
        pltpu.SemaphoreType.DMA,
        pltpu.SemaphoreType.DMA,
        pltpu.SemaphoreType.DMA,
        pltpu.SemaphoreType.DMA,
    ],
)
def _sc_lookup(idx_hbm, rules_hbm, out_hbm, row_v, idx0_v, idx1_v,
               out0_v, out1_v, sem_in0, sem_in1, sem_out0, sem_out1):
    wid = lax.axis_index("s") * 2 + lax.axis_index("c")
    idx_b = (idx0_v, idx1_v)
    out_b = (out0_v, out1_v)
    sem_in = (sem_in0, sem_in1)
    sem_out = (sem_out0, sem_out1)

    def in_copy(ci, b):
        return pltpu.make_async_copy(idx_hbm.at[pl.ds(ci * _CHUNK, _CHUNK)],
                                     idx_b[b], sem_in[b])

    def out_copy(ci, b):
        return pltpu.make_async_copy(out_b[b],
                                     out_hbm.at[wid, pl.ds(ci * _CHUNK, _CHUNK)],
                                     sem_out[b])

    in_copy(0, 0).start()
    in_copy(1, 1).start()
    pltpu.sync_copy(rules_hbm.at[wid], row_v)

    def pair_body(p, _):
        for b in range(2):
            ci = p * 2 + b
            in_copy(ci, b).wait()

            @pl.when(p > 0)
            def _wait_out():
                out_copy(ci - 2, b).wait()

            iv, ov = idx_b[b], out_b[b]

            @plsc.parallel_loop(0, _CHUNK, step=16, unroll=8)
            def vec_body(t):
                ov[pl.ds(t, 16)] = plsc.load_gather(row_v, [iv[pl.ds(t, 16)]])

            out_copy(ci, b).start()

            @pl.when(ci + 2 < _NCHUNK)
            def _prefetch():
                in_copy(ci + 2, b).start()
        return 0

    lax.fori_loop(0, _NCHUNK // 2, pair_body, 0)
    for b in range(2):
        out_copy(_NCHUNK - 2 + b, b).wait()


def kernel(sentences, rules):
    idx5 = (sentences.astype(jnp.int32)
            .T.reshape(_SEQ // 8, 8, _BATCH // 128, 128)
            .transpose(0, 2, 1, 3)
            .reshape(_TOK))
    out5 = _sc_lookup(idx5, rules)
    return (out5
            .reshape(_NUM_PT, _SEQ // 8, _BATCH // 128, 8, 128)
            .transpose(2, 4, 0, 1, 3)
            .reshape(_BATCH, _NUM_PT, _SEQ))

# --- scband reference (transcript-rebuilt; emitter-appended) ---
"""Pipeline reference for scband-supervised-unary-grammar-43696997270098 (READ-ONLY COPY).

The authoritative reference and input builder live on the scoring server;
editing this copy changes nothing except your own understanding.
"""

import jax, jax.numpy as jnp
import numpy as np

NUM_PT = 32
NUM_T = 100000
BATCH = 1024
SEQ = 200

def setup_inputs(seed: int = 0) -> dict:
    key = jax.random.key(seed)
    k1, k2 = jax.random.split(key)
    sentences = jax.random.randint(k1, (BATCH, SEQ), 0, NUM_T, dtype=jnp.int64 if jax.config.jax_enable_x64 else jnp.int32)
    raw = jax.random.normal(k2, (NUM_PT, NUM_T), dtype=jnp.float32)
    rules = jax.nn.log_softmax(raw, axis=-1)  # log P(pt -> t), rows sum to 1 in prob space
    return {"sentences": sentences, "rules": rules}

def reference(sentences, rules):
    # rule_log_probs[b, pt, i] = rules[pt, sentences[b, i]]
    # torch: gather(rules.expand(B, num_pt, num_t), 2, sentences.expand(B, num_pt, L))
    gathered = jnp.take(rules, sentences, axis=1)  # (num_pt, B, L)
    rule_log_probs = jnp.transpose(gathered, (1, 0, 2))  # (B, num_pt, L)
    return rule_log_probs

if __name__ == "__main__":
    import jax
    _d = setup_inputs()
    print(jax.jit(kernel)(*tuple(_d.values())))

</pallas_src>

<mosaic_0001>
#map = affine_map<(d0, d1) -> (0)>
#map1 = affine_map<(d0, d1) -> (0, 0)>
module attributes {stable_mosaic.version = 14 : i64} {
  func.func @_sc_lookup(%arg0: i32, %arg1: i32, %arg2: memref<204800xi32, #tpu.memory_space<hbm>>, %arg3: memref<32x100000xf32, #tpu.memory_space<hbm>>, %arg4: memref<32x204800xf32, #tpu.memory_space<hbm>>, %arg5: memref<100000xf32, #tpu.memory_space<vmem>>, %arg6: memref<4096xi32, #tpu.memory_space<vmem>>, %arg7: memref<4096xi32, #tpu.memory_space<vmem>>, %arg8: memref<4096xf32, #tpu.memory_space<vmem>>, %arg9: memref<4096xf32, #tpu.memory_space<vmem>>, %arg10: memref<!tpu.dma_semaphore, #tpu.memory_space<semaphore_mem>>, %arg11: memref<!tpu.dma_semaphore, #tpu.memory_space<semaphore_mem>>, %arg12: memref<!tpu.dma_semaphore, #tpu.memory_space<semaphore_mem>>, %arg13: memref<!tpu.dma_semaphore, #tpu.memory_space<semaphore_mem>>) attributes {dimension_semantics = [#tpu.dimension_semantics<core_parallel>, #tpu.dimension_semantics<subcore_parallel>], iteration_bounds = array<i64: 2, 16>, scalar_prefetch = 0 : i64, scratch_operands = 9 : i64, tpu.core_type = #tpu.core_type<sc_vector_subcore>, window_params = [{transform_indices = #map}, {transform_indices = #map1}, {transform_indices = #map1}]} {
    %mul3A = arith.constant 2 : i32
    %mul3A_0 = arith.muli %arg1, %mul3A : i32
    %add3A = arith.addi %mul3A_0, %arg0 : i32
    %dma_start3A = arith.constant 0 : i32
    %dma_start3A_1 = tpu.memref_slice %arg2[%dma_start3A] : memref<204800xi32, #tpu.memory_space<hbm>> -> memref<4096xi32, #tpu.memory_space<hbm>>
    %dma_start3A_2 = arith.constant 0 : i32
    %dma_start3A_3 = tpu.memref_slice %arg2[%dma_start3A_2] : memref<204800xi32, #tpu.memory_space<hbm>> -> memref<4096xi32, #tpu.memory_space<hbm>>
    tpu.enqueue_dma source(%dma_start3A_3 : memref<4096xi32, #tpu.memory_space<hbm>>) target(%arg6 : memref<4096xi32, #tpu.memory_space<vmem>>) target_semaphore(%arg10 : memref<!tpu.dma_semaphore, #tpu.memory_space<semaphore_mem>>)
    %dma_start3A_4 = arith.constant 4096 : i32
    %dma_start3A_5 = tpu.memref_slice %arg2[%dma_start3A_4] : memref<204800xi32, #tpu.memory_space<hbm>> -> memref<4096xi32, #tpu.memory_space<hbm>>
    %dma_start3A_6 = arith.constant 4096 : i32
    %dma_start3A_7 = tpu.memref_slice %arg2[%dma_start3A_6] : memref<204800xi32, #tpu.memory_space<hbm>> -> memref<4096xi32, #tpu.memory_space<hbm>>
    tpu.enqueue_dma source(%dma_start3A_7 : memref<4096xi32, #tpu.memory_space<hbm>>) target(%arg7 : memref<4096xi32, #tpu.memory_space<vmem>>) target_semaphore(%arg11 : memref<!tpu.dma_semaphore, #tpu.memory_space<semaphore_mem>>)
    "tpu.region"() ({
      %run_scoped3A = tpu.sem_alloc : memref<!tpu.dma_semaphore, #tpu.memory_space<semaphore_mem>>
      %dma_start3A_25 = arith.constant 0 : i32
      %dma_start3A_26 = tpu.memref_slice %arg3[%add3A, %dma_start3A_25] : memref<32x100000xf32, #tpu.memory_space<hbm>> -> memref<1x100000xf32, #tpu.memory_space<hbm>>
      %dma_start3A_27 = tpu.memref_squeeze %dma_start3A_26 : memref<1x100000xf32, #tpu.memory_space<hbm>> -> memref<100000xf32, #tpu.memory_space<hbm>>
      %dma_start3A_28 = arith.constant 0 : i32
      %dma_start3A_29 = tpu.memref_slice %arg3[%add3A, %dma_start3A_28] : memref<32x100000xf32, #tpu.memory_space<hbm>> -> memref<1x100000xf32, #tpu.memory_space<hbm>>
      %dma_start3A_30 = tpu.memref_squeeze %dma_start3A_29 : memref<1x100000xf32, #tpu.memory_space<hbm>> -> memref<100000xf32, #tpu.memory_space<hbm>>
      tpu.enqueue_dma source(%dma_start3A_30 : memref<100000xf32, #tpu.memory_space<hbm>>) target(%arg5 : memref<100000xf32, #tpu.memory_space<vmem>>) target_semaphore(%run_scoped3A : memref<!tpu.dma_semaphore, #tpu.memory_space<semaphore_mem>>)
      %dma_wait3A_31 = arith.constant 0 : i32
      %dma_wait3A_32 = tpu.memref_slice %arg3[%add3A, %dma_wait3A_31] : memref<32x100000xf32, #tpu.memory_space<hbm>> -> memref<1x100000xf32, #tpu.memory_space<hbm>>
      %dma_wait3A_33 = tpu.memref_squeeze %dma_wait3A_32 : memref<1x100000xf32, #tpu.memory_space<hbm>> -> memref<100000xf32, #tpu.memory_space<hbm>>
      %dma_wait3A_34 = arith.constant 0 : i32
      %dma_wait3A_35 = tpu.memref_slice %arg3[%add3A, %dma_wait3A_34] : memref<32x100000xf32, #tpu.memory_space<hbm>> -> memref<1x100000xf32, #tpu.memory_space<hbm>>
      %dma_wait3A_36 = tpu.memref_squeeze %dma_wait3A_35 : memref<1x100000xf32, #tpu.memory_space<hbm>> -> memref<100000xf32, #tpu.memory_space<hbm>>
      tpu.wait_dma2 semaphore(%run_scoped3A : memref<!tpu.dma_semaphore, #tpu.memory_space<semaphore_mem>>) src(%dma_wait3A_36 : memref<100000xf32, #tpu.memory_space<hbm>>) dst(%arg5 : memref<100000xf32, #tpu.memory_space<vmem>>)
      tpu.yield
    }) : () -> ()
    %scan3A = arith.constant 0 : i32
    %scan3A_8 = arith.constant 0 : i32
    %scan3A_9 = arith.constant 25 : i32
    %scan3A_10 = arith.addi %scan3A_8, %scan3A_9 : i32
    %scan3A_11 = arith.constant 1 : i32
    %scan3A_12 = scf.for %scan3A_25 = %scan3A_8 to %scan3A_10 step %scan3A_11 iter_args(%scan3A_26 = %scan3A) -> (i32)  : i32 {
      %mul3A_27 = arith.constant 2 : i32
      %mul3A_28 = arith.muli %scan3A_25, %mul3A_27 : i32
      %add3A_29 = arith.constant 0 : i32
      %add3A_30 = arith.addi %mul3A_28, %add3A_29 : i32
      %mul3A_31 = arith.constant 4096 : i32
      %mul3A_32 = arith.muli %add3A_30, %mul3A_31 : i32
      %dma_wait3A_33 = tpu.memref_slice %arg2[%mul3A_32] : memref<204800xi32, #tpu.memory_space<hbm>> -> memref<4096xi32, #tpu.memory_space<hbm>>
      %dma_wait3A_34 = tpu.memref_slice %arg2[%mul3A_32] : memref<204800xi32, #tpu.memory_space<hbm>> -> memref<4096xi32, #tpu.memory_space<hbm>>
      tpu.wait_dma2 semaphore(%arg10 : memref<!tpu.dma_semaphore, #tpu.memory_space<semaphore_mem>>) src(%dma_wait3A_34 : memref<4096xi32, #tpu.memory_space<hbm>>) dst(%arg6 : memref<4096xi32, #tpu.memory_space<vmem>>)
      %gt3A = arith.constant 0 : i32
      %gt3A_35 = arith.cmpi sgt, %scan3A_25, %gt3A : i32
      %convert_element_type3A = arith.extui %gt3A_35 : i1 to i32
      %cond3A = arith.constant 0 : i32
      %cond3A_36 = arith.cmpi ne, %convert_element_type3A, %cond3A : i32
      scf.if %cond3A_36 {
        %sub3A = arith.constant 2 : i32
        %sub3A_81 = arith.subi %add3A_30, %sub3A : i32
        %mul3A_82 = arith.constant 4096 : i32
        %mul3A_83 = arith.muli %sub3A_81, %mul3A_82 : i32
        %dma_wait3A_84 = tpu.memref_slice %arg4[%add3A, %mul3A_83] : memref<32x204800xf32, #tpu.memory_space<hbm>> -> memref<1x4096xf32, #tpu.memory_space<hbm>>
        %dma_wait3A_85 = tpu.memref_squeeze %dma_wait3A_84 : memref<1x4096xf32, #tpu.memory_space<hbm>> -> memref<4096xf32, #tpu.memory_space<hbm>>
        %dma_wait3A_86 = tpu.memref_slice %arg4[%add3A, %mul3A_83] : memref<32x204800xf32, #tpu.memory_space<hbm>> -> memref<1x4096xf32, #tpu.memory_space<hbm>>
        %dma_wait3A_87 = tpu.memref_squeeze %dma_wait3A_86 : memref<1x4096xf32, #tpu.memory_space<hbm>> -> memref<4096xf32, #tpu.memory_space<hbm>>
        tpu.wait_dma2 semaphore(%arg12 : memref<!tpu.dma_semaphore, #tpu.memory_space<semaphore_mem>>) src(%arg8 : memref<4096xf32, #tpu.memory_space<vmem>>) dst(%dma_wait3A_87 : memref<4096xf32, #tpu.memory_space<hbm>>)
      } else {
      }
      %parallel_loop3A = arith.constant 0 : i32
      %parallel_loop3A_37 = arith.constant 4096 : i32
      %parallel_loop3A_38 = arith.constant 16 : i32
      scf.for %parallel_loop3A_81 = %parallel_loop3A to %parallel_loop3A_37 step %parallel_loop3A_38  : i32 {
        %parallel_loop3A_82 = arith.index_cast %parallel_loop3A_81 : i32 to index
        %parallel_loop3A_83 = tpu.vector_load %arg6[%parallel_loop3A_82] {strides = array<i32>} : memref<4096xi32, #tpu.memory_space<vmem>>, vector<16xi32>,
        %parallel_loop3A_84 = tpu.vector_load_idx %arg5[%parallel_loop3A_83] : memref<100000xf32, #tpu.memory_space<vmem>>[vector<16xi32>], vector<16xf32>,
        %parallel_loop3A_85 = arith.index_cast %parallel_loop3A_81 : i32 to index
        %parallel_loop3A_86 = tpu.vector_load %arg8[%parallel_loop3A_85] {strides = array<i32>} : memref<4096xf32, #tpu.memory_space<vmem>>, vector<16xf32>,
        tpu.vector_store %arg8[%parallel_loop3A_85], %parallel_loop3A_84 {strides = array<i32>} : memref<4096xf32, #tpu.memory_space<vmem>>, vector<16xf32>,
      } {sc.loop_unroll_factor = 8 : i64, sc.parallel_access}
      %mul3A_39 = arith.constant 4096 : i32
      %mul3A_40 = arith.muli %add3A_30, %mul3A_39 : i32
      %dma_start3A_41 = tpu.memref_slice %arg4[%add3A, %mul3A_40] : memref<32x204800xf32, #tpu.memory_space<hbm>> -> memref<1x4096xf32, #tpu.memory_space<hbm>>
      %dma_start3A_42 = tpu.memref_squeeze %dma_start3A_41 : memref<1x4096xf32, #tpu.memory_space<hbm>> -> memref<4096xf32, #tpu.memory_space<hbm>>
      %dma_start3A_43 = tpu.memref_slice %arg4[%add3A, %mul3A_40] : memref<32x204800xf32, #tpu.memory_space<hbm>> -> memref<1x4096xf32, #tpu.memory_space<hbm>>
      %dma_start3A_44 = tpu.memref_squeeze %dma_start3A_43 : memref<1x4096xf32, #tpu.memory_space<hbm>> -> memref<4096xf32, #tpu.memory_space<hbm>>
      tpu.enqueue_dma source(%arg8 : memref<4096xf32, #tpu.memory_space<vmem>>) target(%dma_start3A_44 : memref<4096xf32, #tpu.memory_space<hbm>>) target_semaphore(%arg12 : memref<!tpu.dma_semaphore, #tpu.memory_space<semaphore_mem>>)
      %add3A_45 = arith.constant 2 : i32
      %add3A_46 = arith.addi %add3A_30, %add3A_45 : i32
      %lt3A = arith.constant 50 : i32
      %lt3A_47 = arith.cmpi slt, %add3A_46, %lt3A : i32
      %convert_element_type3A_48 = arith.extui %lt3A_47 : i1 to i32
      %cond3A_49 = arith.constant 0 : i32
      %cond3A_50 = arith.cmpi ne, %convert_element_type3A_48, %cond3A_49 : i32
      scf.if %cond3A_50 {
        %add3A_81 = arith.constant 2 : i32
        %add3A_82 = arith.addi %add3A_30, %add3A_81 : i32
        %mul3A_83 = arith.constant 4096 : i32
        %mul3A_84 = arith.muli %add3A_82, %mul3A_83 : i32
        %dma_start3A_85 = tpu.memref_slice %arg2[%mul3A_84] : memref<204800xi32, #tpu.memory_space<hbm>> -> memref<4096xi32, #tpu.memory_space<hbm>>
        %dma_start3A_86 = tpu.memref_slice %arg2[%mul3A_84] : memref<204800xi32, #tpu.memory_space<hbm>> -> memref<4096xi32, #tpu.memory_space<hbm>>
        tpu.enqueue_dma source(%dma_start3A_86 : memref<4096xi32, #tpu.memory_space<hbm>>) target(%arg6 : memref<4096xi32, #tpu.memory_space<vmem>>) target_semaphore(%arg10 : memref<!tpu.dma_semaphore, #tpu.memory_space<semaphore_mem>>)
      } else {
      }
      %mul3A_51 = arith.constant 2 : i32
      %mul3A_52 = arith.muli %scan3A_25, %mul3A_51 : i32
      %add3A_53 = arith.constant 1 : i32
      %add3A_54 = arith.addi %mul3A_52, %add3A_53 : i32
      %mul3A_55 = arith.constant 4096 : i32
      %mul3A_56 = arith.muli %add3A_54, %mul3A_55 : i32
      %dma_wait3A_57 = tpu.memref_slice %arg2[%mul3A_56] : memref<204800xi32, #tpu.memory_space<hbm>> -> memref<4096xi32, #tpu.memory_space<hbm>>
      %dma_wait3A_58 = tpu.memref_slice %arg2[%mul3A_56] : memref<204800xi32, #tpu.memory_space<hbm>> -> memref<4096xi32, #tpu.memory_space<hbm>>
      tpu.wait_dma2 semaphore(%arg11 : memref<!tpu.dma_semaphore, #tpu.memory_space<semaphore_mem>>) src(%dma_wait3A_58 : memref<4096xi32, #tpu.memory_space<hbm>>) dst(%arg7 : memref<4096xi32, #tpu.memory_space<vmem>>)
      %gt3A_59 = arith.constant 0 : i32
      %gt3A_60 = arith.cmpi sgt, %scan3A_25, %gt3A_59 : i32
      %convert_element_type3A_61 = arith.extui %gt3A_60 : i1 to i32
      %cond3A_62 = arith.constant 0 : i32
      %cond3A_63 = arith.cmpi ne, %convert_element_type3A_61, %cond3A_62 : i32
      scf.if %cond3A_63 {
        %sub3A = arith.constant 2 : i32
        %sub3A_81 = arith.subi %add3A_54, %sub3A : i32
        %mul3A_82 = arith.constant 4096 : i32
        %mul3A_83 = arith.muli %sub3A_81, %mul3A_82 : i32
        %dma_wait3A_84 = tpu.memref_slice %arg4[%add3A, %mul3A_83] : memref<32x204800xf32, #tpu.memory_space<hbm>> -> memref<1x4096xf32, #tpu.memory_space<hbm>>
        %dma_wait3A_85 = tpu.memref_squeeze %dma_wait3A_84 : memref<1x4096xf32, #tpu.memory_space<hbm>> -> memref<4096xf32, #tpu.memory_space<hbm>>
        %dma_wait3A_86 = tpu.memref_slice %arg4[%add3A, %mul3A_83] : memref<32x204800xf32, #tpu.memory_space<hbm>> -> memref<1x4096xf32, #tpu.memory_space<hbm>>
        %dma_wait3A_87 = tpu.memref_squeeze %dma_wait3A_86 : memref<1x4096xf32, #tpu.memory_space<hbm>> -> memref<4096xf32, #tpu.memory_space<hbm>>
        tpu.wait_dma2 semaphore(%arg13 : memref<!tpu.dma_semaphore, #tpu.memory_space<semaphore_mem>>) src(%arg9 : memref<4096xf32, #tpu.memory_space<vmem>>) dst(%dma_wait3A_87 : memref<4096xf32, #tpu.memory_space<hbm>>)
      } else {
      }
      %parallel_loop3A_64 = arith.constant 0 : i32
      %parallel_loop3A_65 = arith.constant 4096 : i32
      %parallel_loop3A_66 = arith.constant 16 : i32
      scf.for %parallel_loop3A_81 = %parallel_loop3A_64 to %parallel_loop3A_65 step %parallel_loop3A_66  : i32 {
        %parallel_loop3A_82 = arith.index_cast %parallel_loop3A_81 : i32 to index
        %parallel_loop3A_83 = tpu.vector_load %arg7[%parallel_loop3A_82] {strides = array<i32>} : memref<4096xi32, #tpu.memory_space<vmem>>, vector<16xi32>,
        %parallel_loop3A_84 = tpu.vector_load_idx %arg5[%parallel_loop3A_83] : memref<100000xf32, #tpu.memory_space<vmem>>[vector<16xi32>], vector<16xf32>,
        %parallel_loop3A_85 = arith.index_cast %parallel_loop3A_81 : i32 to index
        %parallel_loop3A_86 = tpu.vector_load %arg9[%parallel_loop3A_85] {strides = array<i32>} : memref<4096xf32, #tpu.memory_space<vmem>>, vector<16xf32>,
        tpu.vector_store %arg9[%parallel_loop3A_85], %parallel_loop3A_84 {strides = array<i32>} : memref<4096xf32, #tpu.memory_space<vmem>>, vector<16xf32>,
      } {sc.loop_unroll_factor = 8 : i64, sc.parallel_access}
      %mul3A_67 = arith.constant 4096 : i32
      %mul3A_68 = arith.muli %add3A_54, %mul3A_67 : i32
      %dma_start3A_69 = tpu.memref_slice %arg4[%add3A, %mul3A_68] : memref<32x204800xf32, #tpu.memory_space<hbm>> -> memref<1x4096xf32, #tpu.memory_space<hbm>>
      %dma_start3A_70 = tpu.memref_squeeze %dma_start3A_69 : memref<1x4096xf32, #tpu.memory_space<hbm>> -> memref<4096xf32, #tpu.memory_space<hbm>>
      %dma_start3A_71 = tpu.memref_slice %arg4[%add3A, %mul3A_68] : memref<32x204800xf32, #tpu.memory_space<hbm>> -> memref<1x4096xf32, #tpu.memory_space<hbm>>
      %dma_start3A_72 = tpu.memref_squeeze %dma_start3A_71 : memref<1x4096xf32, #tpu.memory_space<hbm>> -> memref<4096xf32, #tpu.memory_space<hbm>>
      tpu.enqueue_dma source(%arg9 : memref<4096xf32, #tpu.memory_space<vmem>>) target(%dma_start3A_72 : memref<4096xf32, #tpu.memory_space<hbm>>) target_semaphore(%arg13 : memref<!tpu.dma_semaphore, #tpu.memory_space<semaphore_mem>>)
      %add3A_73 = arith.constant 2 : i32
      %add3A_74 = arith.addi %add3A_54, %add3A_73 : i32
      %lt3A_75 = arith.constant 50 : i32
      %lt3A_76 = arith.cmpi slt, %add3A_74, %lt3A_75 : i32
      %convert_element_type3A_77 = arith.extui %lt3A_76 : i1 to i32
      %cond3A_78 = arith.constant 0 : i32
      %cond3A_79 = arith.cmpi ne, %convert_element_type3A_77, %cond3A_78 : i32
      scf.if %cond3A_79 {
        %add3A_81 = arith.constant 2 : i32
        %add3A_82 = arith.addi %add3A_54, %add3A_81 : i32
        %mul3A_83 = arith.constant 4096 : i32
        %mul3A_84 = arith.muli %add3A_82, %mul3A_83 : i32
        %dma_start3A_85 = tpu.memref_slice %arg2[%mul3A_84] : memref<204800xi32, #tpu.memory_space<hbm>> -> memref<4096xi32, #tpu.memory_space<hbm>>
        %dma_start3A_86 = tpu.memref_slice %arg2[%mul3A_84] : memref<204800xi32, #tpu.memory_space<hbm>> -> memref<4096xi32, #tpu.memory_space<hbm>>
        tpu.enqueue_dma source(%dma_start3A_86 : memref<4096xi32, #tpu.memory_space<hbm>>) target(%arg7 : memref<4096xi32, #tpu.memory_space<vmem>>) target_semaphore(%arg11 : memref<!tpu.dma_semaphore, #tpu.memory_space<semaphore_mem>>)
      } else {
      }
      %scan3A_80 = arith.constant 0 : i32
      scf.yield %scan3A_80 : i32
    }
    %scan3A_13 = arith.constant 25 : i32
    %dma_wait3A = arith.constant 196608 : i32
    %dma_wait3A_14 = tpu.memref_slice %arg4[%add3A, %dma_wait3A] : memref<32x204800xf32, #tpu.memory_space<hbm>> -> memref<1x4096xf32, #tpu.memory_space<hbm>>
    %dma_wait3A_15 = tpu.memref_squeeze %dma_wait3A_14 : memref<1x4096xf32, #tpu.memory_space<hbm>> -> memref<4096xf32, #tpu.memory_space<hbm>>
    %dma_wait3A_16 = arith.constant 196608 : i32
    %dma_wait3A_17 = tpu.memref_slice %arg4[%add3A, %dma_wait3A_16] : memref<32x204800xf32, #tpu.memory_space<hbm>> -> memref<1x4096xf32, #tpu.memory_space<hbm>>
    %dma_wait3A_18 = tpu.memref_squeeze %dma_wait3A_17 : memref<1x4096xf32, #tpu.memory_space<hbm>> -> memref<4096xf32, #tpu.memory_space<hbm>>
    tpu.wait_dma2 semaphore(%arg12 : memref<!tpu.dma_semaphore, #tpu.memory_space<semaphore_mem>>) src(%arg8 : memref<4096xf32, #tpu.memory_space<vmem>>) dst(%dma_wait3A_18 : memref<4096xf32, #tpu.memory_space<hbm>>)
    %dma_wait3A_19 = arith.constant 200704 : i32
    %dma_wait3A_20 = tpu.memref_slice %arg4[%add3A, %dma_wait3A_19] : memref<32x204800xf32, #tpu.memory_space<hbm>> -> memref<1x4096xf32, #tpu.memory_space<hbm>>
    %dma_wait3A_21 = tpu.memref_squeeze %dma_wait3A_20 : memref<1x4096xf32, #tpu.memory_space<hbm>> -> memref<4096xf32, #tpu.memory_space<hbm>>
    %dma_wait3A_22 = arith.constant 200704 : i32
    %dma_wait3A_23 = tpu.memref_slice %arg4[%add3A, %dma_wait3A_22] : memref<32x204800xf32, #tpu.memory_space<hbm>> -> memref<1x4096xf32, #tpu.memory_space<hbm>>
    %dma_wait3A_24 = tpu.memref_squeeze %dma_wait3A_23 : memref<1x4096xf32, #tpu.memory_space<hbm>> -> memref<4096xf32, #tpu.memory_space<hbm>>
    tpu.wait_dma2 semaphore(%arg13 : memref<!tpu.dma_semaphore, #tpu.memory_space<semaphore_mem>>) src(%arg9 : memref<4096xf32, #tpu.memory_space<vmem>>) dst(%dma_wait3A_24 : memref<4096xf32, #tpu.memory_space<hbm>>)
    return
  }
}

</mosaic_0001>

<sc_bundles>
// kernel: kernel.3.cloned.1.call-start
scs
__scs_entry_jumppad:
0x0: {  	(pc) =	sbr.rel $0x88, $3  }
0x1: {  	(tag) =	ssettag $0x0;
	lr =	simm.s32 $0x1  }
0x2: {  	[smem:$0x3F9F] =	sst lr;
	_ =	strace $0xD0000000  }
0x3: {  	_ = 	snop  }
0x4: {  	_ = 	snop  }
0x5: {  	_ = 	snop  }
0x6: {  	_ = 	snop  }
0x7: {  	_ = 	snop  }
__scs_overlays_trampoline_lowered:
0x8: {  	[smem:$0x3FAE] =	sst s0  }
0x9: {  	[smem:$0x3FAF] =	sst s1  }
0xa: {  	[smem:$0x3FB0] =	sst s2  }
0xb: {  	[smem:$0x3FB1] =	sst s3  }
0xc: {  	[smem:$0x3FB2] =	sst s4  }
0xd: {  	[smem:$0x3FB3] =	sst s5  }
0xe: {  	[smem:$0x3FB4] =	sst s6  }
0xf: {  	[smem:$0x3FB5] =	sst s7  }
0x10: {  	[smem:$0x3FB6] =	sst s8  }
0x11: {  	[smem:$0x3FB7] =	sst s9;
	s0 =	simm.s32 @!p0 $0x0  }
0x12: {  	s1 =	sld [smem:$0x3F9D];
	s0 =	simm.s32 @p0 $0x1  }
0x13: {  	[smem:$0x3FB8] =	sst s0;
	s0 =	simm.s32 @!p1 $0x0  }
0x14: {  	s2 =	sld [smem:$0x3F9C];
	s0 =	simm.s32 @p1 $0x1  }
0x15: {  	[smem:$0x3FB9] =	sst s0;
	s0 =	simm.s32 @!p2 $0x0  }
0x16: {  	s3 =	sld [smem:$0x3FDB];
	s0 =	simm.s32 @p2 $0x1  }
0x17: {  	s4 =	simm.s32 $0x1BF5;
	[smem:$0x3FBB] =	sst s0  }
0x18: {  	s0 =	sld [smem:$0x3F9E];
	_ =	swait.ge [sflag:s4], $0x0  }
0x19: {  	s7 =	sld [smem:$0x3F9F]  }
0x1a: {  	s8 =	sadd.s32 $0xFFFFE003, lr  }
0x1b: {  	s9 =	sadd.s32 $0xFFFFFEF7, lr;
	s5 =	simm.s32 $0xFFFFFFFF;
	p2 =	slt.u32 s8, $0xFFFFF086  }
0x1c: {  	p1 =	slt.u32 s9, $0xF7A;
	s5 =	simm.s32 @!p2 $0x0  }
0x1d: {  	s5 =	simm.s32 @p1 $0x1;
	p0 =	seq.s32 s7, s2  }
0x1e: {  	s7 =	smul.u32 @!p0 $0xF7A, s2;
	p2 =	seq.s32 @!p0 s5, $0x0  }
0x1f: {  	s9 =	smul.u32 $0xF7A, s1;
	s8 =	simm.s32 @!p0 $0x1BF5;
	p2 =	por !p2, p0  }
0x20: {  	[sflag:s8] =	ssyncset.s32 @!p0 $0xFFFFF086;
	s6 =	sadd.s32 @!p0 s3, s7;
	s7 =	simm.s32 @!p0 $0x108  }
0x21: {  	s3 =	sadd.s32 s3, s9;
	s6 =	sadd.s32 @!p0 $0x88, s6;
	s7 =	simm.s32 @p2 $0x1082  }
0x22: {  	[simem:s7], [sflag:s8] =	dma.local @!p0 [hbm:s6], $0xF7A  }
0x23: {  	s9 =	sor.u32 $0xD0000000, s2;
	s6 =	simm.s32 $0x108;
	_ =	swait.ge @!p0 [sflag:s8], $0x0  }
0x24: {  	s3 =	sadd.s32 $0x88, s3;
	s6 =	simm.s32 @!p1 $0x1082;
	[sflag:s4] =	ssyncset.s32 $0xFFFFF086  }
0x25: {  	[simem:s6], [sflag:s4] =	dma.local [hbm:s3], $0xF7A  }
0x26: {  	[smem:$0x3F9F] =	sst s1;
	(tag) =	ssettag s2;
	_ =	strace s9  }
0x27: {  	s1 =	sld [smem:$0x3FAF]  }
0x28: {  	s2 =	sld [smem:$0x3FB0]  }
0x29: {  	s4 =	sld [smem:$0x3FB2]  }
0x2a: {  	p0 =	seq.s32 s5, $0x0;
	s5 =	sld [smem:$0x3FB3]  }
0x2b: {  	s6 =	sld [smem:$0x3FB4]  }
0x2c: {  	s7 =	sld [smem:$0x3FB5]  }
0x2d: {  	s3 =	simm.s32 $0x108;
	s8 =	sld [smem:$0x3FB6]  }
0x2e: {  	s3 =	simm.s32 @!p0 $0x1082;
	s9 =	sld [smem:$0x3FB7]  }
0x2f: {  	lr =	sadd.s32 s0, s3;
	s0 =	sld [smem:$0x3FAE]  }
0x30: {  	s3 =	sld [smem:$0x3FB1]  }
0x31: {  	[smem:$0x3FBA] =	sst s10  }
0x32: {  	s10 =	sld [smem:$0x3FB8];
	_ =	sdelay $0x3  }
0x33: {  	p0 =	seq.s32 s10, $0x1;
	s10 =	sld [smem:$0x3FBA];
	_ =	sdelay $0x3  }
0x34: {  	[smem:$0x3FBA] =	sst s10  }
0x35: {  	s10 =	sld [smem:$0x3FB9];
	_ =	sdelay $0x3  }
0x36: {  	p1 =	seq.s32 s10, $0x1;
	s10 =	sld [smem:$0x3FBA];
	_ =	sdelay $0x3  }
0x37: {  	[smem:$0x3FBA] =	sst s10  }
0x38: {  	s10 =	sld [smem:$0x3FBB]  }
0x39: {  	_ = 	snop;
	(pc) =	sbr.ind lr, $3  }
0x3a: {  	_ = 	snop  }
0x3b: {  	_ = 	snop  }
0x3c: {  	p2 =	seq.s32 s10, $0x1;
	s10 =	sld [smem:$0x3FBA]  }
0x3d: {  	_ =	shalt  }
0x3e: {  	_ =	shalt  }
0x3f: {  	_ =	shalt  }
0x40: {  	_ =	shalt  }
0x41: {  	_ =	shalt  }
0x42: {  	_ =	shalt  }
0x43: {  	_ =	shalt  }
0x44: {  	_ =	shalt  }
0x45: {  	_ =	shalt  }
0x46: {  	_ =	shalt  }
0x47: {  	_ =	shalt  }
0x48: {  	_ =	shalt  }
0x49: {  	_ =	shalt  }
0x4a: {  	_ =	shalt  }
0x4b: {  	_ =	shalt  }
0x4c: {  	_ =	shalt  }
0x4d: {  	_ =	shalt  }
0x4e: {  	_ =	shalt  }
0x4f: {  	_ =	shalt  }
0x50: {  	_ =	shalt  }
0x51: {  	_ =	shalt  }
0x52: {  	_ =	shalt  }
0x53: {  	_ =	shalt  }
0x54: {  	_ =	shalt  }
0x55: {  	_ =	shalt  }
0x56: {  	_ =	shalt  }
0x57: {  	_ =	shalt  }
0x58: {  	_ =	shalt  }
0x59: {  	_ =	shalt  }
0x5a: {  	_ =	shalt  }
0x5b: {  	_ =	shalt  }
0x5c: {  	_ =	shalt  }
0x5d: {  	_ =	shalt  }
0x5e: {  	_ =	shalt  }
0x5f: {  	_ =	shalt  }
0x60: {  	_ =	shalt  }
0x61: {  	_ =	shalt  }
0x62: {  	_ =	shalt  }
0x63: {  	_ =	shalt  }
0x64: {  	_ =	shalt  }
0x65: {  	_ =	shalt  }
0x66: {  	_ =	shalt  }
0x67: {  	_ =	shalt  }
0x68: {  	_ =	shalt  }
0x69: {  	_ =	shalt  }
0x6a: {  	_ =	shalt  }
0x6b: {  	_ =	shalt  }
0x6c: {  	_ =	shalt  }
0x6d: {  	_ =	shalt  }
0x6e: {  	_ =	shalt  }
0x6f: {  	_ =	shalt  }
0x70: {  	_ =	shalt  }
0x71: {  	_ =	shalt  }
0x72: {  	_ =	shalt  }
0x73: {  	_ =	shalt  }
0x74: {  	_ =	shalt  }
0x75: {  	_ =	shalt  }
0x76: {  	_ =	shalt  }
0x77: {  	_ =	shalt  }
0x78: {  	_ =	shalt  }
0x79: {  	_ =	shalt  }
0x7a: {  	_ =	shalt  }
0x7b: {  	_ =	shalt  }
0x7c: {  	_ =	shalt  }
0x7d: {  	_ =	shalt  }
0x7e: {  	_ =	shalt  }
0x7f: {  	_ =	shalt  }
0x80: {  	_ =	shalt  }
0x81: {  	_ =	shalt  }
0x82: {  	_ =	shalt  }
0x83: {  	_ =	shalt  }
0x84: {  	_ =	shalt  }
0x85: {  	_ =	shalt  }
0x86: {  	_ =	shalt  }
0x87: {  	_ =	shalt  }
.Lfunc_end0:
.L_simem_size_0:
called_computation_lowered:
.L_overlay_start_0:
0x88: {  	s2 =	sld [smem:$0x3FD9]  }
0x89: {  	s3 =	sld [smem:$0x3FFE];
	_ =	sdelay $0x1  }
0x8a: {  	s1 =	srdreg.scid  }
0x8b: {  	s0 =	sand.u32 $0x1, s1  }
0x8c: {  	s17 =	sshll.u32 s0, $0xA;
	s2 =	sadd.s32 s3, s2  }
0x8d: {  	s2 =	sadd.s32 s2, s17  }
0x8e: {  	[smem:$0x3FC6] =	sst s2  }
0x8f: {  	_ = 	snop  }
0x90: {  	s2 =	sld [smem:$0x3FC9]  }
0x91: {  	s18 =	sld [smem:$0x3FD0];
	(tm) =	ssettm $0x1  }
0x92: {  	s4 =	sld [smem:$0x3FFB];
	_ =	sdelay $0x3  }
0x93: {  	_ =	strace s4  }
0x94: {  	s4 =	sld [smem:$0x3FFC];
	_ =	sdelay $0x3  }
0x95: {  	_ =	strace s4  }
0x96: {  	s4 =	sld [smem:$0x3FFD];
	_ =	sdelay $0x3  }
0x97: {  	_ =	strace s4  }
0x98: {  	_ =	strace $0x8FFFFFFF  }
0x99: {  	s19 =	sld [smem:$0x3FDB];
	_ =	sdelay $0x1  }
0x9a: {  	s5 =	simm.s32 $_scs_section_size  }
0x9b: {  	s6 =	simm.s32 $_size__tile_overlayer_lowered;
	s7 =	simm.s32 $_tile_overlayer_lowered  }
0x9c: {  	s22 =	simm.s32 $0x1BFF;
	s21 =	sshll.u32 s7, $0x1;
	s4 =	sadd.s32 s5, s19  }
0x9d: {  	s8 =	simm.s32 $0x0;
	s20 =	sshll.u32 s6, $0x1;
	s6 =	sadd.s32 s21, s4  }
0x9e: {  	[timem:s8], [sflag:s22] =	dma.local [hbm:s6], s20  }
0x9f: {  	_ =	swait.ge [sflag:s22], s20  }
0xa0: {  	s5 =	ssub.s32 $0x0, s20;
	[sflag:s22] =	ssyncset.done $0x0  }
0xa1: {  	[sflag:s22] =	ssyncadd.s32 s5;
	_ =	sdelay $0x1  }
0xa2: {  	s23 =	simm.s32 $0x1B8B  }
0xa3: {  	_ =	swait.ge [sflag:s23], $0x1  }
0xa4: {  	[sflag:s23] =	ssyncset.done $0x0  }
0xa5: {  	s25 =	simm.s32 $0x1B8E;
	s24 =	sld [smem:$0x3FFE];
	[sflag:s23] =	ssyncadd.s32 $0xFFFFFFFF  }
0xa6: {  	s26 =	simm.s32 $execute0_lowered;
	[smem:$0x3FD2] =	sst s25  }
0xa7: {  	s6 =	sshll.u32 s26, $0x1;
	_ =	strace $0x80000046;
	[dreg:$0x1] =	wrdreg $0xFFFFFFFF  }
0xa8: {  	s28 =	simm.s32 $_size_execute0_lowered;
	s4 =	sadd.s32 s4, s6;
	[dreg:$0x0] =	wrdreg $0x0  }
0xa9: {  	s6 =	sshll.u32 s28, $0x1;
	[dreg:$0x2] =	wrdreg s4  }
0xaa: {  	[dreg:$0x3] =	wrdreg s6  }
0xab: {  	[dreg:$0x4] =	wrdreg $0xC0  }
0xac: {  	_ =	task [dreg:s8], $0x5FFFF  }
0xad: {  	[dreg:$0x1] =	wrdreg $0xFFFFFFFF  }
0xae: {  	[dreg:$0x0] =	wrdreg $0x60  }
0xaf: {  	[dreg:$0x2] =	wrdreg s2  }
0xb0: {  	[dreg:$0x3] =	wrdreg s24  }
0xb1: {  	[dreg:$0x4] =	wrdreg s18  }
0xb2: {  	[dreg:$0x5] =	wrdreg $0x9  }
0xb3: {  	_ =	task.clear_ibuf [dreg:s8], $0x6FFFF;
	_ =	strace $0x90000046  }
0xb4: {  	s29 =	simm.s32 $0x9;
	_ =	strace $0x80000048  }
0xb5: {  	_ =	swait.ge [sflag:s29], $0x1  }
0xb6: {  	[sflag:s29] =	ssyncadd.s32 $0xFFFFFFFF  }
0xb7: {  	_ =	strace $0x90000048  }
0xb8: {  	_ =	sfence  }
0xb9: {  	s30 =	sld [smem:$0x0];
	_ =	sdelay $0x2  }
0xba: {  	s31 =	sshll.u32 s1, $0xD;
	s1 =	sshrl.u32 s1, $0x2  }
0xbb: {  	s3 =	sand.u32 $0x4000, s31;
	s1 =	sadd.s32 s1, s30  }
0xbc: {  	s0 =	sor.u32 s3, s0;
	s1 =	sshll.u32 s1, $0x11  }
0xbd: {  	s0 =	sor.u32 s1, s0  }
0xbe: {  	s0 =	sadd.s32 $0x8F2B, s0  }
0xbf: {  	[sflag:s0] =	ssyncadd.remote.s32 $0x1  }
0xc0: {  	_ =	sfence.sel $0xFFFF  }
0xc1: {  	[dreg:$0x0] =	wrdreg $0xFFFFFFFF;
	(pc) =	sbr.abs _section_cstart, $3  }
0xc2: {  	[dreg:$0x1] =	wrdreg $0xFFFFFFFF  }
0xc3: {  	_ =	task.clear_ibuf [dreg:s8], $0x2FFFF;
	_ =	strace $0x9FFFFFFF  }
0xc4: {  	(tm) =	ssettm $0x7FFFFFFF  }
0xc5: {  	_ =	shalt  }
tec
execute0_lowered:
.L_overlay_start_1:
0x0: {  	(tag) =	ssettag $0x1  }
0x1: {  	s1 =	rddreg [dreg:$0x0]  }
0x2: {  	s6 =	rddreg [dreg:$0x1];
	s2 =	srdreg.scid  }
0x3: {  	s0 =	stileid.u32;
	s3 =	rddreg [dreg:$0x2]  }
0x4: {  	s4 =	simm.s32 $0x0;
	s12 =	simm.s32 $0x186A0;
	s13 =	simm.s32 $0x196A0  }
0x5: {  	s14 =	simm.s32 $0x5;
	s15 =	simm.s32 $0x1;
	s16 =	simm.s32 $0x1A6A0  }
0x6: {  	s17 =	simm.s32 $0x2;
	s18 =	simm.s32 $0x4;
	s19 =	simm.s32 $0x1B6A0  }
0x7: {  	s20 =	simm.s32 $0x3;
	s5 =	sand.u32 $0x1, s2;
	s2 =	rddreg [dreg:$0x3]  }
0x8: {  	s21 =	simm.s32 $0x0;
	s7 =	sshll.u32 s0, $0x1;
	[smem:$0x7FF] =	sst s4  }
.Ltmp0:
0x9: {  	s7 =	sor.u32 s5, s7;
	s9 =	ssub.s32 $0x2, s5;
	(pc) =	sbr.rel .LBB2_1-.Ltmp0, $4  }
0xa: {  	_ =	strace $0x80000047;
	s8 =	smul.u32 $0x30D4, s7;
	s10 =	sshrl.u32 s9, $0x1  }
0xb: {  	s5 =	smul.u32 $0x32000, s7;
	s11 =	ssub.s32 s9, s10;
	s10 =	sadd.s32 $0x600, s1  }
0xc: {  	s31 =	sadd.s32 s8, s6;
	s6 =	sadd.s32 $0x200, s1;
	s8 =	sadd.s32 $0x400, s1  }
0xd: {  	s9 =	sor.u32 $0x1000, s5;
	s11 =	smax.u32 s11, $0x1;
	s7 =	sadd.s32 $0x400, s31  }
.LBB2_12:
0xe: {  	s21 =	sadd.s32 $0x1, s21  }
0xf: {  	_ =	swait.ge [sflag:s20], $0x1000;
	p0 =	sne.s32 s21, s11  }
.Ltmp1:
0x10: {  	[sflag:s20] =	ssyncset.done $0x0;
	(pc) =	sbr.rel @!p0 .LBB2_13-.Ltmp1, $4  }
0x11: {  	[sflag:s20] =	ssyncadd.s32 $0xFFFFF000  }
0x12: {  	_ =	swait.ge [sflag:s18], $0x1000  }
0x13: {  	[sflag:s18] =	ssyncset.done $0x0  }
0x14: {  	[sflag:s18] =	ssyncadd.s32 $0xFFFFF000  }
.LBB2_1:
0x15: {  	[tilespmem:s12], [sflag:$0x1] =	stream.linear.gather [hbm4b:s1+s4], $0x1000, $0x38;
	[tilespmem:$0x1C6A0] =	vst v63  }
0x16: {  	_ = 	snop  }
0x17: {  	[tilespmem:s13], [sflag:$0x2] =	stream.linear.gather [hbm4b:s6+s4], $0x1000, $0x38;
	[tilespmem:$0x1C6A0] =	vst v63  }
0x18: {  	_ = 	snop  }
0x19: {  	[tilespmem:s4], [sflag:$0x5] =	stream.linear.gather [hbm4b:s7+s4], $0x186A0, $0x38;
	[tilespmem:$0x1C6A0] =	vst v63  }
0x1a: {  	_ =	swait.ge [sflag:s14], $0x186A0  }
0x1b: {  	[sflag:s14] =	ssyncset.done $0x0  }
0x1c: {  	s22 =	simm.s32 $0x0;
	[sflag:s14] =	ssyncadd.s32 $0xFFFE7960  }
.LBB2_2:
0x1d: {  	_ =	swait.ge [sflag:s15], $0x1000  }
0x1e: {  	p0 =	seq.s32 s22, $0x0;
	[sflag:s15] =	ssyncset.done $0x0  }
0x1f: {  	s23 =	simm.s32 @!p0 $0x3;
	[sflag:s15] =	ssyncadd.s32 $0xFFFFF000  }
0x20: {  	_ =	swait.ge @!p0 [sflag:s23], $0x1000  }
0x21: {  	[sflag:s23] =	ssyncset.done @!p0 $0x0  }
0x22: {  	s31 =	simm.s32 $0x186E0;
	[sflag:s23] =	ssyncadd.s32 @!p0 $0xFFFFF000  }
0x23: {  	v0 =	vld [tilespmem:s31+$0x30]  }
0x24: {  	v1 =	vld [tilespmem:s31+$0xFFFFFFD0]  }
0x25: {  	v2 =	vld [tilespmem:s31+$0xFFFFFFE0]  }
0x26: {  	v3 =	vld [tilespmem:s31+$0xFFFFFFF0]  }
0x27: {  	v6 =	vld [tilespmem:s31+$0x0]  }
0x28: {  	v7 =	vld [tilespmem:s31+$0x10]  }
0x29: {  	v8 =	vld [tilespmem:s31+$0x20]  }
0x2a: {  	v9 =	vld [tilespmem:s31+$0xFFFFFFC0]  }
0x2b: {  	v10 =	vld.idx.msk [tilespmem:v0+s4+$0x0], $0xffff  }
0x2c: {  	v11 =	vld.idx.msk [tilespmem:v1+s4+$0x0], $0xffff  }
0x2d: {  	v5 =	vld.idx.msk [tilespmem:v2+s4+$0x0], $0xffff  }
0x2e: {  	v4 =	vld.idx.msk [tilespmem:v3+s4+$0x0], $0xffff  }
0x2f: {  	v2 =	vld.idx.msk [tilespmem:v6+s4+$0x0], $0xffff  }
0x30: {  	s25 =	simm.s32 $0x1A6E0;
	v1 =	vld.idx.msk [tilespmem:v7+s4+$0x0], $0xffff  }
0x31: {  	v0 =	vld.idx.msk [tilespmem:v8+s4+$0x0], $0xffff;
	[tilespmem:s25+$0x30] =	vst v10  }
0x32: {  	s24 =	simm.s32 $0x0;
	s26 =	simm.s32 $0x18760;
	s23 =	sshll.u32 s22, $0xA;
	v3 =	vld.idx.msk [tilespmem:v9+s4+$0x0], $0xffff;
	[tilespmem:s25+$0xFFFFFFD0] =	vst v11  }
.LBB2_3:
0x33: {  	v6 =	vld [tilespmem:s26+$0x30];
	s24 =	sadd.s32 $0x80, s24;
	[tilespmem:s25+$0xFFFFFFE0] =	vst v5  }
0x34: {  	v5 =	vld [tilespmem:s26+$0xFFFFFFD0];
	p1 =	slt.u32 s24, $0xF80;
	[tilespmem:s25+$0xFFFFFFF0] =	vst v4  }
0x35: {  	v4 =	vld [tilespmem:s26+$0xFFFFFFE0];
	[tilespmem:s25+$0x0] =	vst v2  }
0x36: {  	v2 =	vld [tilespmem:s26+$0xFFFFFFF0];
	[tilespmem:s25+$0x10] =	vst v1  }
0x37: {  	v1 =	vld [tilespmem:s26+$0x0];
	[tilespmem:s25+$0x20] =	vst v0  }
0x38: {  	v0 =	vld [tilespmem:s26+$0x10];
	[tilespmem:s25+$0xFFFFFFC0] =	vst v3  }
0x39: {  	v3 =	vld [tilespmem:s26+$0x20]  }
0x3a: {  	v7 =	vld [tilespmem:s26+$0xFFFFFFC0]  }
0x3b: {  	v6 =	vld.idx.msk [tilespmem:v6+s4+$0x0], $0xffff  }
0x3c: {  	v8 =	vld.idx.msk [tilespmem:v5+s4+$0x0], $0xffff  }
0x3d: {  	v5 =	vld.idx.msk [tilespmem:v4+s4+$0x0], $0xffff  }
.Ltmp2:
0x3e: {  	v4 =	vld.idx.msk [tilespmem:v2+s4+$0x0], $0xffff;
	(pc) =	sbr.rel @p1 .LBB2_3-.Ltmp2, $4  }
0x3f: {  	v2 =	vld.idx.msk [tilespmem:v1+s4+$0x0], $0xffff  }
0x40: {  	s25 =	sadd.s32 $0x80, s25;
	v1 =	vld.idx.msk [tilespmem:v0+s4+$0x0], $0xffff  }
0x41: {  	v0 =	vld.idx.msk [tilespmem:v3+s4+$0x0], $0xffff;
	[tilespmem:s25+$0x30] =	vst v6  }
0x42: {  	s26 =	sadd.s32 $0x80, s26;
	v3 =	vld.idx.msk [tilespmem:v7+s4+$0x0], $0xffff;
	[tilespmem:s25+$0xFFFFFFD0] =	vst v8  }
0x43: {  	[tilespmem:s25+$0xFFFFFFE0] =	vst v5  }
0x44: {  	[tilespmem:s25+$0xFFFFFFF0] =	vst v4;
	p1 =	sne.s32 s22, $0x18  }
.Ltmp3:
0x45: {  	s24 =	sshll.u32 s22, $0xD;
	[tilespmem:s25+$0x0] =	vst v2;
	(pc) =	sbr.rel @p1 .LBB2_6-.Ltmp3, $4  }
0x46: {  	s26 =	sadd.s32 s5, s24;
	[tilespmem:s25+$0x10] =	vst v1  }
0x47: {  	s26 =	sshrl.u32 s26, $0x3;
	[tilespmem:s25+$0x20] =	vst v0  }
0x48: {  	s31 =	sadd.s32 s3, s26;
	[tilespmem:s25+$0xFFFFFFC0] =	vst v3  }
0x49: {  	[hbm4b:s31+s4] =	stream.linear.scatter [tilespmem:s16], [sflag:$0x3], $0x1000, $0x38;
	[tilespmem:$0x1C6A0] =	vst v63  }
.Ltmp4:
0x4a: {  	(pc) =	sbr.rel .LBB2_7-.Ltmp4, $4  }
0x4b: {  	_ = 	snop  }
0x4c: {  	_ =	swait.ge [sflag:s17], $0x1000  }
0x4d: {  	[sflag:s17] =	ssyncset.done $0x0  }
0x4e: {  	[sflag:s17] =	ssyncadd.s32 $0xFFFFF000  }
.LBB2_6:
.Ltmp5:
0x4f: {  	s25 =	sadd.s32 s23, s8;
	(pc) =	sbr.rel @p0 .LBB2_8-.Ltmp5, $4  }
0x50: {  	[tilespmem:s12], [sflag:$0x1] =	stream.linear.gather [hbm4b:s25+s4], $0x1000, $0x38;
	[tilespmem:$0x1C6A0] =	vst v63  }
0x51: {  	_ =	swait.ge [sflag:s17], $0x1000  }
0x52: {  	[sflag:s17] =	ssyncset.done $0x0  }
0x53: {  	[sflag:s17] =	ssyncadd.s32 $0xFFFFF000  }
.LBB2_7:
0x54: {  	_ =	swait.ge [sflag:s18], $0x1000  }
0x55: {  	[sflag:s18] =	ssyncset.done $0x0  }
0x56: {  	[sflag:s18] =	ssyncadd.s32 $0xFFFFF000  }
.LBB2_8:
0x57: {  	s25 =	simm.s32 $0x196E0  }
0x58: {  	v0 =	vld [tilespmem:s25+$0x30]  }
0x59: {  	v1 =	vld [tilespmem:s25+$0xFFFFFFD0]  }
0x5a: {  	v2 =	vld [tilespmem:s25+$0xFFFFFFE0]  }
0x5b: {  	v3 =	vld [tilespmem:s25+$0xFFFFFFF0]  }
0x5c: {  	v6 =	vld [tilespmem:s25+$0x0]  }
0x5d: {  	v7 =	vld [tilespmem:s25+$0x10]  }
0x5e: {  	v8 =	vld [tilespmem:s25+$0x20]  }
0x5f: {  	v9 =	vld [tilespmem:s25+$0xFFFFFFC0]  }
0x60: {  	v10 =	vld.idx.msk [tilespmem:v0+s4+$0x0], $0xffff  }
0x61: {  	v11 =	vld.idx.msk [tilespmem:v1+s4+$0x0], $0xffff  }
0x62: {  	v5 =	vld.idx.msk [tilespmem:v2+s4+$0x0], $0xffff  }
0x63: {  	v4 =	vld.idx.msk [tilespmem:v3+s4+$0x0], $0xffff  }
0x64: {  	v1 =	vld.idx.msk [tilespmem:v6+s4+$0x0], $0xffff  }
0x65: {  	s25 =	simm.s32 $0x1B6E0;
	v2 =	vld.idx.msk [tilespmem:v7+s4+$0x0], $0xffff  }
0x66: {  	v0 =	vld.idx.msk [tilespmem:v8+s4+$0x0], $0xffff;
	[tilespmem:s25+$0x30] =	vst v10  }
0x67: {  	s26 =	simm.s32 $0x0;
	s28 =	simm.s32 $0x19760;
	v3 =	vld.idx.msk [tilespmem:v9+s4+$0x0], $0xffff;
	[tilespmem:s25+$0xFFFFFFD0] =	vst v11  }
.LBB2_9:
0x68: {  	v6 =	vld [tilespmem:s28+$0x30];
	s26 =	sadd.s32 $0x80, s26;
	[tilespmem:s25+$0xFFFFFFE0] =	vst v5  }
0x69: {  	v5 =	vld [tilespmem:s28+$0xFFFFFFD0];
	p0 =	slt.u32 s26, $0xF80;
	[tilespmem:s25+$0xFFFFFFF0] =	vst v4  }
0x6a: {  	v4 =	vld [tilespmem:s28+$0xFFFFFFE0];
	[tilespmem:s25+$0x0] =	vst v1  }
0x6b: {  	v1 =	vld [tilespmem:s28+$0xFFFFFFF0];
	[tilespmem:s25+$0x10] =	vst v2  }
0x6c: {  	v2 =	vld [tilespmem:s28+$0x0];
	[tilespmem:s25+$0x20] =	vst v0  }
0x6d: {  	v0 =	vld [tilespmem:s28+$0x10];
	[tilespmem:s25+$0xFFFFFFC0] =	vst v3  }
0x6e: {  	v3 =	vld [tilespmem:s28+$0x20]  }
0x6f: {  	v7 =	vld [tilespmem:s28+$0xFFFFFFC0]  }
0x70: {  	v6 =	vld.idx.msk [tilespmem:v6+s4+$0x0], $0xffff  }
0x71: {  	v8 =	vld.idx.msk [tilespmem:v5+s4+$0x0], $0xffff  }
0x72: {  	v5 =	vld.idx.msk [tilespmem:v4+s4+$0x0], $0xffff  }
.Ltmp6:
0x73: {  	v4 =	vld.idx.msk [tilespmem:v1+s4+$0x0], $0xffff;
	(pc) =	sbr.rel @p0 .LBB2_9-.Ltmp6, $4  }
0x74: {  	v1 =	vld.idx.msk [tilespmem:v2+s4+$0x0], $0xffff  }
0x75: {  	s25 =	sadd.s32 $0x80, s25;
	v2 =	vld.idx.msk [tilespmem:v0+s4+$0x0], $0xffff  }
0x76: {  	v0 =	vld.idx.msk [tilespmem:v3+s4+$0x0], $0xffff;
	[tilespmem:s25+$0x30] =	vst v6  }
0x77: {  	s28 =	sadd.s32 $0x80, s28;
	v3 =	vld.idx.msk [tilespmem:v7+s4+$0x0], $0xffff;
	[tilespmem:s25+$0xFFFFFFD0] =	vst v8  }
0x78: {  	[tilespmem:s25+$0xFFFFFFE0] =	vst v5  }
0x79: {  	[tilespmem:s25+$0xFFFFFFF0] =	vst v4;
	p0 =	seq.s32 s22, $0x18  }
.Ltmp7:
0x7a: {  	[tilespmem:s25+$0x0] =	vst v1;
	(pc) =	sbr.rel @p0 .LBB2_12-.Ltmp7, $4  }
0x7b: {  	s24 =	sadd.s32 s24, s9;
	[tilespmem:s25+$0x10] =	vst v2  }
0x7c: {  	s24 =	sshrl.u32 s24, $0x3;
	[tilespmem:s25+$0x20] =	vst v0  }
0x7d: {  	s24 =	sadd.s32 s3, s24;
	[tilespmem:s25+$0xFFFFFFC0] =	vst v3  }
0x7e: {  	[hbm4b:s24+s4] =	stream.linear.scatter [tilespmem:s19], [sflag:$0x4], $0x1000, $0x38;
	[tilespmem:$0x1C6A0] =	vst v63  }
.Ltmp8:
0x7f: {  	(pc) =	sbr.rel .LBB2_2-.Ltmp8, $3  }
0x80: {  	_ =	sdelay $0x1  }
0x81: {  	s23 =	sadd.s32 s23, s10;
	s22 =	sadd.s32 $0x1, s22  }
0x82: {  	[tilespmem:s13], [sflag:$0x2] =	stream.linear.gather [hbm4b:s23+s4], $0x1000, $0x38;
	[tilespmem:$0x1C6A0] =	vst v63  }
.LBB2_13:
0x83: {  	_ =	sfence.sel $0x180000  }
0x84: {  	[bflag:$0x0] =	sbarrier.arrive $0xFFFF  }
0x85: {  	p0 =	sne.s32 s0, $0x0;
	_ =	strace $0x90000047  }
0x86: {  	s0 =	sadd.s32 @!p0 $0x100000, s2;
	[bflag:$0x2] =	sbarrier.arrive $0xFFFF  }
0x87: {  	[sflag:s0] =	ssyncadd.tile.s32 @!p0 $0x1;
	_ =	shalt  }
.Lfunc_end2:
_tile_overlayer_lowered:
.L_overlay_start_2:
0x88: {  	(tag) =	ssettag $0x2  }
0x89: {  	s0 =	rddreg [dreg:$0x0];
	s2 =	stileid.u32  }
0x8a: {  	s1 =	rddreg [dreg:$0x1];
	p0 =	sne.s32 s2, $0x0  }
0x8b: {  	s3 =	rddreg [dreg:$0x2];
	[bflag:$0x3] =	sbarrier.arrive $0xFFFF;
	s2 =	simm.s32 @!p0 $0x1C05  }
0x8c: {  	[timem:s3], [sflag:s2] =	dma.local @!p0 [hbm:s0], s1  }
0x8d: {  	s0 =	simm.s32 @!p0 $0x5  }
0x8e: {  	_ =	swait.ge @!p0 [sflag:s0], s1  }
0x8f: {  	s1 =	ssub.s32 @!p0 $0x0, s1;
	[sflag:s0] =	ssyncset.done @!p0 $0x0  }
0x90: {  	[sflag:s0] =	ssyncadd.s32 @!p0 s1  }
0x91: {  	[bflag:$0x3] =	sbarrier.arrive $0xFFFF  }
0x92: {  	_ =	shalt  }

</sc_bundles>
